<compile_context>
chip_gen: v7x
topology: tpu7x:2x2x1
jax: 0.10.2.dev20260603
libtpu: 0.0.44.dev20260713+nightly
codegen_flags: <defaults>
</compile_context>

<pallas_src>
import functools

import jax
import jax.numpy as jnp
from jax import lax
from jax.experimental import pallas as pl
from jax.experimental.pallas import tpu as pltpu
from jax.experimental.pallas import tpu_sc as plsc

_NC, _NS, _L = 2, 16, 16
_NW = _NC * _NS

_R, _C = 16384, 100
_RPW = _R // _NW

_mesh = plsc.VectorSubcoreMesh(core_axis_name="c", subcore_axis_name="s")


@functools.partial(
    pl.kernel,
    out_type=jax.ShapeDtypeStruct((_R, _C), jnp.int32),
    mesh=_mesh,
    scratch_types=[
        pltpu.VMEM((_RPW, _C), jnp.int32),
        pltpu.VMEM((_RPW, _C), jnp.float32),
        pltpu.SemaphoreType.DMA,
    ],
    compiler_params=pltpu.CompilerParams(needs_layout_passes=False),
)
def _gather_mask(idx_hbm, table_hbm, out_hbm, idx_v, vals_v, sem):
    wid = lax.axis_index("s") * _NC + lax.axis_index("c")
    r0 = wid * jnp.int32(_RPW)

    with jax.named_scope("copyin"):
        pltpu.sync_copy(idx_hbm.at[pl.ds(r0, _RPW), :], idx_v)

    with jax.named_scope("fire"):
        @pl.loop(jnp.int32(0), jnp.int32(_RPW), step=jnp.int32(4))
        def _(r):
            for j in range(4):
                rj = r + jnp.int32(j)
                pltpu.async_copy(table_hbm.at[idx_v.at[rj]], vals_v.at[rj], sem)

    with jax.named_scope("drain"):
        @pl.loop(jnp.int32(0), jnp.int32(_RPW), step=jnp.int32(4))
        def _(r):
            for j in range(4):
                rj = r + jnp.int32(j)
                pltpu.make_async_copy(table_hbm.at[idx_v.at[rj]], vals_v.at[rj], sem).wait()

    with jax.named_scope("subtract"):
        @pl.loop(jnp.int32(0), jnp.int32(_RPW))
        def _(r):
            for c in (0, 16, 32, 48, 64, 80, _C - _L):
                sl = pl.ds(jnp.int32(c), _L)
                idx_v[r, sl] = jnp.int32(1) - vals_v[r, sl].astype(jnp.int32)

    with jax.named_scope("copyout"):
        pltpu.sync_copy(idx_v, out_hbm.at[pl.ds(r0, _RPW), :])


def kernel(donors_idx, mask_fit_X_col):
    idx32 = donors_idx.astype(jnp.int32)
    out = _gather_mask(idx32, mask_fit_X_col)
    return out.astype(donors_idx.dtype)

# --- scband reference (transcript-rebuilt; emitter-appended) ---
"""Pipeline reference for scband-make-mask-25443386261848 (READ-ONLY COPY).

The authoritative reference and input builder live on the scoring server;
editing this copy changes nothing except your own understanding.
"""

import jax, jax.numpy as jnp
import numpy as np
jax.config.update("jax_enable_x64", True)


def setup_inputs(seed: int = 0) -> dict:
    key = jax.random.key(seed)
    k1, k2 = jax.random.split(key)
    donors_idx = jax.random.randint(k1, (16384, 100), 0, 1000000, dtype=jnp.int64)
    # mask of 0/1 values (float, as a fitted missingness mask)
    mask_fit_X_col = jax.random.randint(k2, (1000000,), 0, 2).astype(jnp.float32)
    return {"donors_idx": donors_idx, "mask_fit_X_col": mask_fit_X_col}


def reference(donors_idx, mask_fit_X_col):
    # SubTake: torch.Tensor.take flattens the source and returns output with
    # the shape of the index tensor.
    taken = jnp.take(mask_fit_X_col.ravel(), donors_idx.ravel(), axis=0)
    taken = taken.reshape(donors_idx.shape)
    # MakeMask: torch.tensor([1], dtype=donors_idx.dtype) - taken.to(donors_idx.dtype)
    one = jnp.array([1], dtype=donors_idx.dtype)
    return one - taken.astype(donors_idx.dtype)

if __name__ == "__main__":
    import jax
    _d = setup_inputs()
    print(jax.jit(kernel)(*tuple(_d.values())))

</pallas_src>

<mosaic_0001>
#map = affine_map<(d0, d1) -> (0, 0)>
#map1 = affine_map<(d0, d1) -> (0)>
module attributes {stable_mosaic.version = 14 : i64} {
  func.func @_gather_mask(%arg0: i32, %arg1: i32, %arg2: memref<16384x100xi32, #tpu.memory_space<hbm>>, %arg3: memref<1000000xf32, #tpu.memory_space<hbm>>, %arg4: memref<16384x100xi32, #tpu.memory_space<hbm>>, %arg5: memref<512x100xi32, #tpu.memory_space<vmem>>, %arg6: memref<512x100xf32, #tpu.memory_space<vmem>>, %arg7: memref<!tpu.dma_semaphore, #tpu.memory_space<semaphore_mem>>) attributes {dimension_semantics = [#tpu.dimension_semantics<core_parallel>, #tpu.dimension_semantics<subcore_parallel>], iteration_bounds = array<i64: 2, 16>, scalar_prefetch = 0 : i64, scratch_operands = 3 : i64, tpu.core_type = #tpu.core_type<sc_vector_subcore>, window_params = [{transform_indices = #map}, {transform_indices = #map1}, {transform_indices = #map}]} {
    %mul3A = arith.constant 2 : i32
    %mul3A_0 = arith.muli %arg1, %mul3A : i32
    %add3A = arith.addi %mul3A_0, %arg0 : i32
    %mul3A_1 = arith.constant 512 : i32
    %mul3A_2 = arith.muli %add3A, %mul3A_1 : i32
    "tpu.trace_start"() <{level = 10 : i32, message = "copyin"}> : () -> ()
    "tpu.region"() ({
      %run_scoped3A = tpu.sem_alloc : memref<!tpu.dma_semaphore, #tpu.memory_space<semaphore_mem>>
      %dma_start3A = arith.constant 0 : i32
      %dma_start3A_60 = tpu.memref_slice %arg2[%mul3A_2, %dma_start3A] : memref<16384x100xi32, #tpu.memory_space<hbm>> -> memref<512x100xi32, #tpu.memory_space<hbm>>
      %dma_start3A_61 = arith.constant 0 : i32
      %dma_start3A_62 = tpu.memref_slice %arg2[%mul3A_2, %dma_start3A_61] : memref<16384x100xi32, #tpu.memory_space<hbm>> -> memref<512x100xi32, #tpu.memory_space<hbm>>
      tpu.enqueue_dma source(%dma_start3A_62 : memref<512x100xi32, #tpu.memory_space<hbm>>) target(%arg5 : memref<512x100xi32, #tpu.memory_space<vmem>>) target_semaphore(%run_scoped3A : memref<!tpu.dma_semaphore, #tpu.memory_space<semaphore_mem>>)
      %dma_wait3A = arith.constant 0 : i32
      %dma_wait3A_63 = tpu.memref_slice %arg2[%mul3A_2, %dma_wait3A] : memref<16384x100xi32, #tpu.memory_space<hbm>> -> memref<512x100xi32, #tpu.memory_space<hbm>>
      %dma_wait3A_64 = arith.constant 0 : i32
      %dma_wait3A_65 = tpu.memref_slice %arg2[%mul3A_2, %dma_wait3A_64] : memref<16384x100xi32, #tpu.memory_space<hbm>> -> memref<512x100xi32, #tpu.memory_space<hbm>>
      tpu.wait_dma2 semaphore(%run_scoped3A : memref<!tpu.dma_semaphore, #tpu.memory_space<semaphore_mem>>) src(%dma_wait3A_65 : memref<512x100xi32, #tpu.memory_space<hbm>>) dst(%arg5 : memref<512x100xi32, #tpu.memory_space<vmem>>)
      tpu.yield
    }) : () -> ()
    "tpu.trace_stop"() : () -> ()
    "tpu.trace_start"() <{level = 10 : i32, message = "fire"}> : () -> ()
    %sub3A = arith.constant 512 : i32
    %sub3A_3 = arith.constant 0 : i32
    %sub3A_4 = arith.subi %sub3A, %sub3A_3 : i32
    %sub3A_5 = arith.constant 4 : i32
    %sub3A_6 = arith.constant 1 : i32
    %sub3A_7 = arith.subi %sub3A_5, %sub3A_6 : i32
    %add3A_8 = arith.addi %sub3A_4, %sub3A_7 : i32
    %div3A = arith.constant 4 : i32
    %div3A_9 = arith.divsi %add3A_8, %div3A : i32
    %while3A = arith.constant 4 : i32
    %while3A_10 = arith.constant 0 : i32
    %while3A_11 = arith.constant 0 : i32
    %while3A_12 = arith.subi %div3A_9, %while3A_11 : i32
    %while3A_13 = arith.addi %while3A_11, %while3A_12 : i32
    %while3A_14 = arith.constant 1 : i32
    %while3A_15 = arith.divsi %while3A_12, %while3A_14 : i32
    %while3A_16 = arith.muli %while3A_15, %while3A_14 : i32
    %while3A_17 = arith.addi %while3A_11, %while3A_16 : i32
    %while3A_18 = arith.constant 1 : i32
    scf.for %while3A_60 = %while3A_11 to %while3A_17 step %while3A_18  : i32 {
      %mul3A_61 = arith.muli %while3A_60, %while3A : i32
      %add3A_62 = arith.addi %while3A_10, %mul3A_61 : i32
      %add3A_63 = arith.constant 0 : i32
      %add3A_64 = arith.addi %add3A_62, %add3A_63 : i32
      %dma_start3A = arith.constant 0 : i32
      %dma_start3A_65 = tpu.memref_slice %arg6[%add3A_64, %dma_start3A] : memref<512x100xf32, #tpu.memory_space<vmem>> -> memref<1x100xf32, #tpu.memory_space<vmem>>
      %dma_start3A_66 = tpu.memref_squeeze %dma_start3A_65 : memref<1x100xf32, #tpu.memory_space<vmem>> -> memref<100xf32, #tpu.memory_space<vmem>>
      %dma_start3A_67 = arith.constant 0 : i32
      %dma_start3A_68 = tpu.memref_slice %arg5[%add3A_64, %dma_start3A_67] : memref<512x100xi32, #tpu.memory_space<vmem>> -> memref<1x100xi32, #tpu.memory_space<vmem>>
      %dma_start3A_69 = tpu.memref_squeeze %dma_start3A_68 : memref<1x100xi32, #tpu.memory_space<vmem>> -> memref<100xi32, #tpu.memory_space<vmem>>
      %dma_start3A_70 = arith.constant 0 : i32
      %dma_start3A_71 = tpu.memref_slice %arg3[%dma_start3A_70] : memref<1000000xf32, #tpu.memory_space<hbm>> -> memref<1000000xf32, #tpu.memory_space<hbm>>
      tpu.enqueue_indirect_dma source(%dma_start3A_71 : memref<1000000xf32, #tpu.memory_space<hbm>>) target(%dma_start3A_66 : memref<100xf32, #tpu.memory_space<vmem>>) offsets(%dma_start3A_69 : memref<100xi32, #tpu.memory_space<vmem>>) semaphore(%arg7 : memref<!tpu.dma_semaphore, #tpu.memory_space<semaphore_mem>>)
      %add3A_72 = arith.constant 1 : i32
      %add3A_73 = arith.addi %add3A_62, %add3A_72 : i32
      %dma_start3A_74 = arith.constant 0 : i32
      %dma_start3A_75 = tpu.memref_slice %arg6[%add3A_73, %dma_start3A_74] : memref<512x100xf32, #tpu.memory_space<vmem>> -> memref<1x100xf32, #tpu.memory_space<vmem>>
      %dma_start3A_76 = tpu.memref_squeeze %dma_start3A_75 : memref<1x100xf32, #tpu.memory_space<vmem>> -> memref<100xf32, #tpu.memory_space<vmem>>
      %dma_start3A_77 = arith.constant 0 : i32
      %dma_start3A_78 = tpu.memref_slice %arg5[%add3A_73, %dma_start3A_77] : memref<512x100xi32, #tpu.memory_space<vmem>> -> memref<1x100xi32, #tpu.memory_space<vmem>>
      %dma_start3A_79 = tpu.memref_squeeze %dma_start3A_78 : memref<1x100xi32, #tpu.memory_space<vmem>> -> memref<100xi32, #tpu.memory_space<vmem>>
      %dma_start3A_80 = arith.constant 0 : i32
      %dma_start3A_81 = tpu.memref_slice %arg3[%dma_start3A_80] : memref<1000000xf32, #tpu.memory_space<hbm>> -> memref<1000000xf32, #tpu.memory_space<hbm>>
      tpu.enqueue_indirect_dma source(%dma_start3A_81 : memref<1000000xf32, #tpu.memory_space<hbm>>) target(%dma_start3A_76 : memref<100xf32, #tpu.memory_space<vmem>>) offsets(%dma_start3A_79 : memref<100xi32, #tpu.memory_space<vmem>>) semaphore(%arg7 : memref<!tpu.dma_semaphore, #tpu.memory_space<semaphore_mem>>)
      %add3A_82 = arith.constant 2 : i32
      %add3A_83 = arith.addi %add3A_62, %add3A_82 : i32
      %dma_start3A_84 = arith.constant 0 : i32
      %dma_start3A_85 = tpu.memref_slice %arg6[%add3A_83, %dma_start3A_84] : memref<512x100xf32, #tpu.memory_space<vmem>> -> memref<1x100xf32, #tpu.memory_space<vmem>>
      %dma_start3A_86 = tpu.memref_squeeze %dma_start3A_85 : memref<1x100xf32, #tpu.memory_space<vmem>> -> memref<100xf32, #tpu.memory_space<vmem>>
      %dma_start3A_87 = arith.constant 0 : i32
      %dma_start3A_88 = tpu.memref_slice %arg5[%add3A_83, %dma_start3A_87] : memref<512x100xi32, #tpu.memory_space<vmem>> -> memref<1x100xi32, #tpu.memory_space<vmem>>
      %dma_start3A_89 = tpu.memref_squeeze %dma_start3A_88 : memref<1x100xi32, #tpu.memory_space<vmem>> -> memref<100xi32, #tpu.memory_space<vmem>>
      %dma_start3A_90 = arith.constant 0 : i32
      %dma_start3A_91 = tpu.memref_slice %arg3[%dma_start3A_90] : memref<1000000xf32, #tpu.memory_space<hbm>> -> memref<1000000xf32, #tpu.memory_space<hbm>>
      tpu.enqueue_indirect_dma source(%dma_start3A_91 : memref<1000000xf32, #tpu.memory_space<hbm>>) target(%dma_start3A_86 : memref<100xf32, #tpu.memory_space<vmem>>) offsets(%dma_start3A_89 : memref<100xi32, #tpu.memory_space<vmem>>) semaphore(%arg7 : memref<!tpu.dma_semaphore, #tpu.memory_space<semaphore_mem>>)
      %add3A_92 = arith.constant 3 : i32
      %add3A_93 = arith.addi %add3A_62, %add3A_92 : i32
      %dma_start3A_94 = arith.constant 0 : i32
      %dma_start3A_95 = tpu.memref_slice %arg6[%add3A_93, %dma_start3A_94] : memref<512x100xf32, #tpu.memory_space<vmem>> -> memref<1x100xf32, #tpu.memory_space<vmem>>
      %dma_start3A_96 = tpu.memref_squeeze %dma_start3A_95 : memref<1x100xf32, #tpu.memory_space<vmem>> -> memref<100xf32, #tpu.memory_space<vmem>>
      %dma_start3A_97 = arith.constant 0 : i32
      %dma_start3A_98 = tpu.memref_slice %arg5[%add3A_93, %dma_start3A_97] : memref<512x100xi32, #tpu.memory_space<vmem>> -> memref<1x100xi32, #tpu.memory_space<vmem>>
      %dma_start3A_99 = tpu.memref_squeeze %dma_start3A_98 : memref<1x100xi32, #tpu.memory_space<vmem>> -> memref<100xi32, #tpu.memory_space<vmem>>
      %dma_start3A_100 = arith.constant 0 : i32
      %dma_start3A_101 = tpu.memref_slice %arg3[%dma_start3A_100] : memref<1000000xf32, #tpu.memory_space<hbm>> -> memref<1000000xf32, #tpu.memory_space<hbm>>
      tpu.enqueue_indirect_dma source(%dma_start3A_101 : memref<1000000xf32, #tpu.memory_space<hbm>>) target(%dma_start3A_96 : memref<100xf32, #tpu.memory_space<vmem>>) offsets(%dma_start3A_99 : memref<100xi32, #tpu.memory_space<vmem>>) semaphore(%arg7 : memref<!tpu.dma_semaphore, #tpu.memory_space<semaphore_mem>>)
    }
    %while3A_19 = arith.constant 1 : i32
    scf.for %while3A_60 = %while3A_17 to %while3A_13 step %while3A_19  : i32 {
      %mul3A_61 = arith.muli %while3A_60, %while3A : i32
      %add3A_62 = arith.addi %while3A_10, %mul3A_61 : i32
      %add3A_63 = arith.constant 0 : i32
      %add3A_64 = arith.addi %add3A_62, %add3A_63 : i32
      %dma_start3A = arith.constant 0 : i32
      %dma_start3A_65 = tpu.memref_slice %arg6[%add3A_64, %dma_start3A] : memref<512x100xf32, #tpu.memory_space<vmem>> -> memref<1x100xf32, #tpu.memory_space<vmem>>
      %dma_start3A_66 = tpu.memref_squeeze %dma_start3A_65 : memref<1x100xf32, #tpu.memory_space<vmem>> -> memref<100xf32, #tpu.memory_space<vmem>>
      %dma_start3A_67 = arith.constant 0 : i32
      %dma_start3A_68 = tpu.memref_slice %arg5[%add3A_64, %dma_start3A_67] : memref<512x100xi32, #tpu.memory_space<vmem>> -> memref<1x100xi32, #tpu.memory_space<vmem>>
      %dma_start3A_69 = tpu.memref_squeeze %dma_start3A_68 : memref<1x100xi32, #tpu.memory_space<vmem>> -> memref<100xi32, #tpu.memory_space<vmem>>
      %dma_start3A_70 = arith.constant 0 : i32
      %dma_start3A_71 = tpu.memref_slice %arg3[%dma_start3A_70] : memref<1000000xf32, #tpu.memory_space<hbm>> -> memref<1000000xf32, #tpu.memory_space<hbm>>
      tpu.enqueue_indirect_dma source(%dma_start3A_71 : memref<1000000xf32, #tpu.memory_space<hbm>>) target(%dma_start3A_66 : memref<100xf32, #tpu.memory_space<vmem>>) offsets(%dma_start3A_69 : memref<100xi32, #tpu.memory_space<vmem>>) semaphore(%arg7 : memref<!tpu.dma_semaphore, #tpu.memory_space<semaphore_mem>>)
      %add3A_72 = arith.constant 1 : i32
      %add3A_73 = arith.addi %add3A_62, %add3A_72 : i32
      %dma_start3A_74 = arith.constant 0 : i32
      %dma_start3A_75 = tpu.memref_slice %arg6[%add3A_73, %dma_start3A_74] : memref<512x100xf32, #tpu.memory_space<vmem>> -> memref<1x100xf32, #tpu.memory_space<vmem>>
      %dma_start3A_76 = tpu.memref_squeeze %dma_start3A_75 : memref<1x100xf32, #tpu.memory_space<vmem>> -> memref<100xf32, #tpu.memory_space<vmem>>
      %dma_start3A_77 = arith.constant 0 : i32
      %dma_start3A_78 = tpu.memref_slice %arg5[%add3A_73, %dma_start3A_77] : memref<512x100xi32, #tpu.memory_space<vmem>> -> memref<1x100xi32, #tpu.memory_space<vmem>>
      %dma_start3A_79 = tpu.memref_squeeze %dma_start3A_78 : memref<1x100xi32, #tpu.memory_space<vmem>> -> memref<100xi32, #tpu.memory_space<vmem>>
      %dma_start3A_80 = arith.constant 0 : i32
      %dma_start3A_81 = tpu.memref_slice %arg3[%dma_start3A_80] : memref<1000000xf32, #tpu.memory_space<hbm>> -> memref<1000000xf32, #tpu.memory_space<hbm>>
      tpu.enqueue_indirect_dma source(%dma_start3A_81 : memref<1000000xf32, #tpu.memory_space<hbm>>) target(%dma_start3A_76 : memref<100xf32, #tpu.memory_space<vmem>>) offsets(%dma_start3A_79 : memref<100xi32, #tpu.memory_space<vmem>>) semaphore(%arg7 : memref<!tpu.dma_semaphore, #tpu.memory_space<semaphore_mem>>)
      %add3A_82 = arith.constant 2 : i32
      %add3A_83 = arith.addi %add3A_62, %add3A_82 : i32
      %dma_start3A_84 = arith.constant 0 : i32
      %dma_start3A_85 = tpu.memref_slice %arg6[%add3A_83, %dma_start3A_84] : memref<512x100xf32, #tpu.memory_space<vmem>> -> memref<1x100xf32, #tpu.memory_space<vmem>>
      %dma_start3A_86 = tpu.memref_squeeze %dma_start3A_85 : memref<1x100xf32, #tpu.memory_space<vmem>> -> memref<100xf32, #tpu.memory_space<vmem>>
      %dma_start3A_87 = arith.constant 0 : i32
      %dma_start3A_88 = tpu.memref_slice %arg5[%add3A_83, %dma_start3A_87] : memref<512x100xi32, #tpu.memory_space<vmem>> -> memref<1x100xi32, #tpu.memory_space<vmem>>
      %dma_start3A_89 = tpu.memref_squeeze %dma_start3A_88 : memref<1x100xi32, #tpu.memory_space<vmem>> -> memref<100xi32, #tpu.memory_space<vmem>>
      %dma_start3A_90 = arith.constant 0 : i32
      %dma_start3A_91 = tpu.memref_slice %arg3[%dma_start3A_90] : memref<1000000xf32, #tpu.memory_space<hbm>> -> memref<1000000xf32, #tpu.memory_space<hbm>>
      tpu.enqueue_indirect_dma source(%dma_start3A_91 : memref<1000000xf32, #tpu.memory_space<hbm>>) target(%dma_start3A_86 : memref<100xf32, #tpu.memory_space<vmem>>) offsets(%dma_start3A_89 : memref<100xi32, #tpu.memory_space<vmem>>) semaphore(%arg7 : memref<!tpu.dma_semaphore, #tpu.memory_space<semaphore_mem>>)
      %add3A_92 = arith.constant 3 : i32
      %add3A_93 = arith.addi %add3A_62, %add3A_92 : i32
      %dma_start3A_94 = arith.constant 0 : i32
      %dma_start3A_95 = tpu.memref_slice %arg6[%add3A_93, %dma_start3A_94] : memref<512x100xf32, #tpu.memory_space<vmem>> -> memref<1x100xf32, #tpu.memory_space<vmem>>
      %dma_start3A_96 = tpu.memref_squeeze %dma_start3A_95 : memref<1x100xf32, #tpu.memory_space<vmem>> -> memref<100xf32, #tpu.memory_space<vmem>>
      %dma_start3A_97 = arith.constant 0 : i32
      %dma_start3A_98 = tpu.memref_slice %arg5[%add3A_93, %dma_start3A_97] : memref<512x100xi32, #tpu.memory_space<vmem>> -> memref<1x100xi32, #tpu.memory_space<vmem>>
      %dma_start3A_99 = tpu.memref_squeeze %dma_start3A_98 : memref<1x100xi32, #tpu.memory_space<vmem>> -> memref<100xi32, #tpu.memory_space<vmem>>
      %dma_start3A_100 = arith.constant 0 : i32
      %dma_start3A_101 = tpu.memref_slice %arg3[%dma_start3A_100] : memref<1000000xf32, #tpu.memory_space<hbm>> -> memref<1000000xf32, #tpu.memory_space<hbm>>
      tpu.enqueue_indirect_dma source(%dma_start3A_101 : memref<1000000xf32, #tpu.memory_space<hbm>>) target(%dma_start3A_96 : memref<100xf32, #tpu.memory_space<vmem>>) offsets(%dma_start3A_99 : memref<100xi32, #tpu.memory_space<vmem>>) semaphore(%arg7 : memref<!tpu.dma_semaphore, #tpu.memory_space<semaphore_mem>>)
    }
    "tpu.trace_stop"() : () -> ()
    "tpu.trace_start"() <{level = 10 : i32, message = "drain"}> : () -> ()
    %sub3A_20 = arith.constant 512 : i32
    %sub3A_21 = arith.constant 0 : i32
    %sub3A_22 = arith.subi %sub3A_20, %sub3A_21 : i32
    %sub3A_23 = arith.constant 4 : i32
    %sub3A_24 = arith.constant 1 : i32
    %sub3A_25 = arith.subi %sub3A_23, %sub3A_24 : i32
    %add3A_26 = arith.addi %sub3A_22, %sub3A_25 : i32
    %div3A_27 = arith.constant 4 : i32
    %div3A_28 = arith.divsi %add3A_26, %div3A_27 : i32
    %while3A_29 = arith.constant 4 : i32
    %while3A_30 = arith.constant 0 : i32
    %while3A_31 = arith.constant 0 : i32
    %while3A_32 = arith.subi %div3A_28, %while3A_31 : i32
    %while3A_33 = arith.addi %while3A_31, %while3A_32 : i32
    %while3A_34 = arith.constant 1 : i32
    %while3A_35 = arith.divsi %while3A_32, %while3A_34 : i32
    %while3A_36 = arith.muli %while3A_35, %while3A_34 : i32
    %while3A_37 = arith.addi %while3A_31, %while3A_36 : i32
    %while3A_38 = arith.constant 1 : i32
    scf.for %while3A_60 = %while3A_31 to %while3A_37 step %while3A_38  : i32 {
      %mul3A_61 = arith.muli %while3A_60, %while3A_29 : i32
      %add3A_62 = arith.addi %while3A_30, %mul3A_61 : i32
      %add3A_63 = arith.constant 0 : i32
      %add3A_64 = arith.addi %add3A_62, %add3A_63 : i32
      %dma_wait3A = arith.constant 0 : i32
      %dma_wait3A_65 = tpu.memref_slice %arg6[%add3A_64, %dma_wait3A] : memref<512x100xf32, #tpu.memory_space<vmem>> -> memref<1x100xf32, #tpu.memory_space<vmem>>
      %dma_wait3A_66 = tpu.memref_squeeze %dma_wait3A_65 : memref<1x100xf32, #tpu.memory_space<vmem>> -> memref<100xf32, #tpu.memory_space<vmem>>
      %dma_wait3A_67 = arith.constant 0 : i32
      %dma_wait3A_68 = tpu.memref_slice %arg5[%add3A_64, %dma_wait3A_67] : memref<512x100xi32, #tpu.memory_space<vmem>> -> memref<1x100xi32, #tpu.memory_space<vmem>>
      %dma_wait3A_69 = tpu.memref_squeeze %dma_wait3A_68 : memref<1x100xi32, #tpu.memory_space<vmem>> -> memref<100xi32, #tpu.memory_space<vmem>>
      %dma_wait3A_70 = arith.constant 0 : i32
      %dma_wait3A_71 = tpu.memref_slice %arg3[%dma_wait3A_70] : memref<1000000xf32, #tpu.memory_space<hbm>> -> memref<1000000xf32, #tpu.memory_space<hbm>>
      tpu.wait_indirect_dma semaphore(%arg7 : memref<!tpu.dma_semaphore, #tpu.memory_space<semaphore_mem>>) src(%dma_wait3A_71 : memref<1000000xf32, #tpu.memory_space<hbm>>) dst(%dma_wait3A_66 : memref<100xf32, #tpu.memory_space<vmem>>)
      %add3A_72 = arith.constant 1 : i32
      %add3A_73 = arith.addi %add3A_62, %add3A_72 : i32
      %dma_wait3A_74 = arith.constant 0 : i32
      %dma_wait3A_75 = tpu.memref_slice %arg6[%add3A_73, %dma_wait3A_74] : memref<512x100xf32, #tpu.memory_space<vmem>> -> memref<1x100xf32, #tpu.memory_space<vmem>>
      %dma_wait3A_76 = tpu.memref_squeeze %dma_wait3A_75 : memref<1x100xf32, #tpu.memory_space<vmem>> -> memref<100xf32, #tpu.memory_space<vmem>>
      %dma_wait3A_77 = arith.constant 0 : i32
      %dma_wait3A_78 = tpu.memref_slice %arg5[%add3A_73, %dma_wait3A_77] : memref<512x100xi32, #tpu.memory_space<vmem>> -> memref<1x100xi32, #tpu.memory_space<vmem>>
      %dma_wait3A_79 = tpu.memref_squeeze %dma_wait3A_78 : memref<1x100xi32, #tpu.memory_space<vmem>> -> memref<100xi32, #tpu.memory_space<vmem>>
      %dma_wait3A_80 = arith.constant 0 : i32
      %dma_wait3A_81 = tpu.memref_slice %arg3[%dma_wait3A_80] : memref<1000000xf32, #tpu.memory_space<hbm>> -> memref<1000000xf32, #tpu.memory_space<hbm>>
      tpu.wait_indirect_dma semaphore(%arg7 : memref<!tpu.dma_semaphore, #tpu.memory_space<semaphore_mem>>) src(%dma_wait3A_81 : memref<1000000xf32, #tpu.memory_space<hbm>>) dst(%dma_wait3A_76 : memref<100xf32, #tpu.memory_space<vmem>>)
      %add3A_82 = arith.constant 2 : i32
      %add3A_83 = arith.addi %add3A_62, %add3A_82 : i32
      %dma_wait3A_84 = arith.constant 0 : i32
      %dma_wait3A_85 = tpu.memref_slice %arg6[%add3A_83, %dma_wait3A_84] : memref<512x100xf32, #tpu.memory_space<vmem>> -> memref<1x100xf32, #tpu.memory_space<vmem>>
      %dma_wait3A_86 = tpu.memref_squeeze %dma_wait3A_85 : memref<1x100xf32, #tpu.memory_space<vmem>> -> memref<100xf32, #tpu.memory_space<vmem>>
      %dma_wait3A_87 = arith.constant 0 : i32
      %dma_wait3A_88 = tpu.memref_slice %arg5[%add3A_83, %dma_wait3A_87] : memref<512x100xi32, #tpu.memory_space<vmem>> -> memref<1x100xi32, #tpu.memory_space<vmem>>
      %dma_wait3A_89 = tpu.memref_squeeze %dma_wait3A_88 : memref<1x100xi32, #tpu.memory_space<vmem>> -> memref<100xi32, #tpu.memory_space<vmem>>
      %dma_wait3A_90 = arith.constant 0 : i32
      %dma_wait3A_91 = tpu.memref_slice %arg3[%dma_wait3A_90] : memref<1000000xf32, #tpu.memory_space<hbm>> -> memref<1000000xf32, #tpu.memory_space<hbm>>
      tpu.wait_indirect_dma semaphore(%arg7 : memref<!tpu.dma_semaphore, #tpu.memory_space<semaphore_mem>>) src(%dma_wait3A_91 : memref<1000000xf32, #tpu.memory_space<hbm>>) dst(%dma_wait3A_86 : memref<100xf32, #tpu.memory_space<vmem>>)
      %add3A_92 = arith.constant 3 : i32
      %add3A_93 = arith.addi %add3A_62, %add3A_92 : i32
      %dma_wait3A_94 = arith.constant 0 : i32
      %dma_wait3A_95 = tpu.memref_slice %arg6[%add3A_93, %dma_wait3A_94] : memref<512x100xf32, #tpu.memory_space<vmem>> -> memref<1x100xf32, #tpu.memory_space<vmem>>
      %dma_wait3A_96 = tpu.memref_squeeze %dma_wait3A_95 : memref<1x100xf32, #tpu.memory_space<vmem>> -> memref<100xf32, #tpu.memory_space<vmem>>
      %dma_wait3A_97 = arith.constant 0 : i32
      %dma_wait3A_98 = tpu.memref_slice %arg5[%add3A_93, %dma_wait3A_97] : memref<512x100xi32, #tpu.memory_space<vmem>> -> memref<1x100xi32, #tpu.memory_space<vmem>>
      %dma_wait3A_99 = tpu.memref_squeeze %dma_wait3A_98 : memref<1x100xi32, #tpu.memory_space<vmem>> -> memref<100xi32, #tpu.memory_space<vmem>>
      %dma_wait3A_100 = arith.constant 0 : i32
      %dma_wait3A_101 = tpu.memref_slice %arg3[%dma_wait3A_100] : memref<1000000xf32, #tpu.memory_space<hbm>> -> memref<1000000xf32, #tpu.memory_space<hbm>>
      tpu.wait_indirect_dma semaphore(%arg7 : memref<!tpu.dma_semaphore, #tpu.memory_space<semaphore_mem>>) src(%dma_wait3A_101 : memref<1000000xf32, #tpu.memory_space<hbm>>) dst(%dma_wait3A_96 : memref<100xf32, #tpu.memory_space<vmem>>)
    }
    %while3A_39 = arith.constant 1 : i32
    scf.for %while3A_60 = %while3A_37 to %while3A_33 step %while3A_39  : i32 {
      %mul3A_61 = arith.muli %while3A_60, %while3A_29 : i32
      %add3A_62 = arith.addi %while3A_30, %mul3A_61 : i32
      %add3A_63 = arith.constant 0 : i32
      %add3A_64 = arith.addi %add3A_62, %add3A_63 : i32
      %dma_wait3A = arith.constant 0 : i32
      %dma_wait3A_65 = tpu.memref_slice %arg6[%add3A_64, %dma_wait3A] : memref<512x100xf32, #tpu.memory_space<vmem>> -> memref<1x100xf32, #tpu.memory_space<vmem>>
      %dma_wait3A_66 = tpu.memref_squeeze %dma_wait3A_65 : memref<1x100xf32, #tpu.memory_space<vmem>> -> memref<100xf32, #tpu.memory_space<vmem>>
      %dma_wait3A_67 = arith.constant 0 : i32
      %dma_wait3A_68 = tpu.memref_slice %arg5[%add3A_64, %dma_wait3A_67] : memref<512x100xi32, #tpu.memory_space<vmem>> -> memref<1x100xi32, #tpu.memory_space<vmem>>
      %dma_wait3A_69 = tpu.memref_squeeze %dma_wait3A_68 : memref<1x100xi32, #tpu.memory_space<vmem>> -> memref<100xi32, #tpu.memory_space<vmem>>
      %dma_wait3A_70 = arith.constant 0 : i32
      %dma_wait3A_71 = tpu.memref_slice %arg3[%dma_wait3A_70] : memref<1000000xf32, #tpu.memory_space<hbm>> -> memref<1000000xf32, #tpu.memory_space<hbm>>
      tpu.wait_indirect_dma semaphore(%arg7 : memref<!tpu.dma_semaphore, #tpu.memory_space<semaphore_mem>>) src(%dma_wait3A_71 : memref<1000000xf32, #tpu.memory_space<hbm>>) dst(%dma_wait3A_66 : memref<100xf32, #tpu.memory_space<vmem>>)
      %add3A_72 = arith.constant 1 : i32
      %add3A_73 = arith.addi %add3A_62, %add3A_72 : i32
      %dma_wait3A_74 = arith.constant 0 : i32
      %dma_wait3A_75 = tpu.memref_slice %arg6[%add3A_73, %dma_wait3A_74] : memref<512x100xf32, #tpu.memory_space<vmem>> -> memref<1x100xf32, #tpu.memory_space<vmem>>
      %dma_wait3A_76 = tpu.memref_squeeze %dma_wait3A_75 : memref<1x100xf32, #tpu.memory_space<vmem>> -> memref<100xf32, #tpu.memory_space<vmem>>
      %dma_wait3A_77 = arith.constant 0 : i32
      %dma_wait3A_78 = tpu.memref_slice %arg5[%add3A_73, %dma_wait3A_77] : memref<512x100xi32, #tpu.memory_space<vmem>> -> memref<1x100xi32, #tpu.memory_space<vmem>>
      %dma_wait3A_79 = tpu.memref_squeeze %dma_wait3A_78 : memref<1x100xi32, #tpu.memory_space<vmem>> -> memref<100xi32, #tpu.memory_space<vmem>>
      %dma_wait3A_80 = arith.constant 0 : i32
      %dma_wait3A_81 = tpu.memref_slice %arg3[%dma_wait3A_80] : memref<1000000xf32, #tpu.memory_space<hbm>> -> memref<1000000xf32, #tpu.memory_space<hbm>>
      tpu.wait_indirect_dma semaphore(%arg7 : memref<!tpu.dma_semaphore, #tpu.memory_space<semaphore_mem>>) src(%dma_wait3A_81 : memref<1000000xf32, #tpu.memory_space<hbm>>) dst(%dma_wait3A_76 : memref<100xf32, #tpu.memory_space<vmem>>)
      %add3A_82 = arith.constant 2 : i32
      %add3A_83 = arith.addi %add3A_62, %add3A_82 : i32
      %dma_wait3A_84 = arith.constant 0 : i32
      %dma_wait3A_85 = tpu.memref_slice %arg6[%add3A_83, %dma_wait3A_84] : memref<512x100xf32, #tpu.memory_space<vmem>> -> memref<1x100xf32, #tpu.memory_space<vmem>>
      %dma_wait3A_86 = tpu.memref_squeeze %dma_wait3A_85 : memref<1x100xf32, #tpu.memory_space<vmem>> -> memref<100xf32, #tpu.memory_space<vmem>>
      %dma_wait3A_87 = arith.constant 0 : i32
      %dma_wait3A_88 = tpu.memref_slice %arg5[%add3A_83, %dma_wait3A_87] : memref<512x100xi32, #tpu.memory_space<vmem>> -> memref<1x100xi32, #tpu.memory_space<vmem>>
      %dma_wait3A_89 = tpu.memref_squeeze %dma_wait3A_88 : memref<1x100xi32, #tpu.memory_space<vmem>> -> memref<100xi32, #tpu.memory_space<vmem>>
      %dma_wait3A_90 = arith.constant 0 : i32
      %dma_wait3A_91 = tpu.memref_slice %arg3[%dma_wait3A_90] : memref<1000000xf32, #tpu.memory_space<hbm>> -> memref<1000000xf32, #tpu.memory_space<hbm>>
      tpu.wait_indirect_dma semaphore(%arg7 : memref<!tpu.dma_semaphore, #tpu.memory_space<semaphore_mem>>) src(%dma_wait3A_91 : memref<1000000xf32, #tpu.memory_space<hbm>>) dst(%dma_wait3A_86 : memref<100xf32, #tpu.memory_space<vmem>>)
      %add3A_92 = arith.constant 3 : i32
      %add3A_93 = arith.addi %add3A_62, %add3A_92 : i32
      %dma_wait3A_94 = arith.constant 0 : i32
      %dma_wait3A_95 = tpu.memref_slice %arg6[%add3A_93, %dma_wait3A_94] : memref<512x100xf32, #tpu.memory_space<vmem>> -> memref<1x100xf32, #tpu.memory_space<vmem>>
      %dma_wait3A_96 = tpu.memref_squeeze %dma_wait3A_95 : memref<1x100xf32, #tpu.memory_space<vmem>> -> memref<100xf32, #tpu.memory_space<vmem>>
      %dma_wait3A_97 = arith.constant 0 : i32
      %dma_wait3A_98 = tpu.memref_slice %arg5[%add3A_93, %dma_wait3A_97] : memref<512x100xi32, #tpu.memory_space<vmem>> -> memref<1x100xi32, #tpu.memory_space<vmem>>
      %dma_wait3A_99 = tpu.memref_squeeze %dma_wait3A_98 : memref<1x100xi32, #tpu.memory_space<vmem>> -> memref<100xi32, #tpu.memory_space<vmem>>
      %dma_wait3A_100 = arith.constant 0 : i32
      %dma_wait3A_101 = tpu.memref_slice %arg3[%dma_wait3A_100] : memref<1000000xf32, #tpu.memory_space<hbm>> -> memref<1000000xf32, #tpu.memory_space<hbm>>
      tpu.wait_indirect_dma semaphore(%arg7 : memref<!tpu.dma_semaphore, #tpu.memory_space<semaphore_mem>>) src(%dma_wait3A_101 : memref<1000000xf32, #tpu.memory_space<hbm>>) dst(%dma_wait3A_96 : memref<100xf32, #tpu.memory_space<vmem>>)
    }
    "tpu.trace_stop"() : () -> ()
    "tpu.trace_start"() <{level = 10 : i32, message = "subtract"}> : () -> ()
    %sub3A_40 = arith.constant 512 : i32
    %sub3A_41 = arith.constant 0 : i32
    %sub3A_42 = arith.subi %sub3A_40, %sub3A_41 : i32
    %sub3A_43 = arith.constant 1 : i32
    %sub3A_44 = arith.constant 1 : i32
    %sub3A_45 = arith.subi %sub3A_43, %sub3A_44 : i32
    %add3A_46 = arith.addi %sub3A_42, %sub3A_45 : i32
    %div3A_47 = arith.constant 1 : i32
    %div3A_48 = arith.divsi %add3A_46, %div3A_47 : i32
    %while3A_49 = arith.constant 1 : i32
    %while3A_50 = arith.constant 0 : i32
    %while3A_51 = arith.constant 0 : i32
    %while3A_52 = arith.subi %div3A_48, %while3A_51 : i32
    %while3A_53 = arith.addi %while3A_51, %while3A_52 : i32
    %while3A_54 = arith.constant 1 : i32
    %while3A_55 = arith.divsi %while3A_52, %while3A_54 : i32
    %while3A_56 = arith.muli %while3A_55, %while3A_54 : i32
    %while3A_57 = arith.addi %while3A_51, %while3A_56 : i32
    %while3A_58 = arith.constant 1 : i32
    scf.for %while3A_60 = %while3A_51 to %while3A_57 step %while3A_58  : i32 {
      %mul3A_61 = arith.muli %while3A_60, %while3A_49 : i32
      %add3A_62 = arith.addi %while3A_50, %mul3A_61 : i32
      %get3A = arith.constant 0 : i32
      %get3A_63 = arith.index_cast %add3A_62 : i32 to index
      %get3A_64 = arith.index_cast %get3A : i32 to index
      %get3A_65 = tpu.vector_load %arg6[%get3A_63, %get3A_64] {strides = array<i32>} : memref<512x100xf32, #tpu.memory_space<vmem>>, vector<16xf32>,
      %convert_element_type3A = arith.fptosi %get3A_65 : vector<16xf32> to vector<16xi32>
      %sub3A_66 = arith.constant 1 : i32
      %sub3A_67 = vector.broadcast %sub3A_66 : i32 to vector<16xi32>
      %sub3A_68 = arith.subi %sub3A_67, %convert_element_type3A : vector<16xi32>
      %swap3A = arith.constant 0 : i32
      %swap3A_69 = arith.index_cast %add3A_62 : i32 to index
      %swap3A_70 = arith.index_cast %swap3A : i32 to index
      %swap3A_71 = tpu.vector_load %arg5[%swap3A_69, %swap3A_70] {strides = array<i32>} : memref<512x100xi32, #tpu.memory_space<vmem>>, vector<16xi32>,
      tpu.vector_store %arg5[%swap3A_69, %swap3A_70], %sub3A_68 {strides = array<i32>} : memref<512x100xi32, #tpu.memory_space<vmem>>, vector<16xi32>,
      %get3A_72 = arith.constant 16 : i32
      %get3A_73 = arith.index_cast %add3A_62 : i32 to index
      %get3A_74 = arith.index_cast %get3A_72 : i32 to index
      %get3A_75 = tpu.vector_load %arg6[%get3A_73, %get3A_74] {strides = array<i32>} : memref<512x100xf32, #tpu.memory_space<vmem>>, vector<16xf32>,
      %convert_element_type3A_76 = arith.fptosi %get3A_75 : vector<16xf32> to vector<16xi32>
      %sub3A_77 = arith.constant 1 : i32
      %sub3A_78 = vector.broadcast %sub3A_77 : i32 to vector<16xi32>
      %sub3A_79 = arith.subi %sub3A_78, %convert_element_type3A_76 : vector<16xi32>
      %swap3A_80 = arith.constant 16 : i32
      %swap3A_81 = arith.index_cast %add3A_62 : i32 to index
      %swap3A_82 = arith.index_cast %swap3A_80 : i32 to index
      %swap3A_83 = tpu.vector_load %arg5[%swap3A_81, %swap3A_82] {strides = array<i32>} : memref<512x100xi32, #tpu.memory_space<vmem>>, vector<16xi32>,
      tpu.vector_store %arg5[%swap3A_81, %swap3A_82], %sub3A_79 {strides = array<i32>} : memref<512x100xi32, #tpu.memory_space<vmem>>, vector<16xi32>,
      %get3A_84 = arith.constant 32 : i32
      %get3A_85 = arith.index_cast %add3A_62 : i32 to index
      %get3A_86 = arith.index_cast %get3A_84 : i32 to index
      %get3A_87 = tpu.vector_load %arg6[%get3A_85, %get3A_86] {strides = array<i32>} : memref<512x100xf32, #tpu.memory_space<vmem>>, vector<16xf32>,
      %convert_element_type3A_88 = arith.fptosi %get3A_87 : vector<16xf32> to vector<16xi32>
      %sub3A_89 = arith.constant 1 : i32
      %sub3A_90 = vector.broadcast %sub3A_89 : i32 to vector<16xi32>
      %sub3A_91 = arith.subi %sub3A_90, %convert_element_type3A_88 : vector<16xi32>
      %swap3A_92 = arith.constant 32 : i32
      %swap3A_93 = arith.index_cast %add3A_62 : i32 to index
      %swap3A_94 = arith.index_cast %swap3A_92 : i32 to index
      %swap3A_95 = tpu.vector_load %arg5[%swap3A_93, %swap3A_94] {strides = array<i32>} : memref<512x100xi32, #tpu.memory_space<vmem>>, vector<16xi32>,
      tpu.vector_store %arg5[%swap3A_93, %swap3A_94], %sub3A_91 {strides = array<i32>} : memref<512x100xi32, #tpu.memory_space<vmem>>, vector<16xi32>,
      %get3A_96 = arith.constant 48 : i32
      %get3A_97 = arith.index_cast %add3A_62 : i32 to index
      %get3A_98 = arith.index_cast %get3A_96 : i32 to index
      %get3A_99 = tpu.vector_load %arg6[%get3A_97, %get3A_98] {strides = array<i32>} : memref<512x100xf32, #tpu.memory_space<vmem>>, vector<16xf32>,
      %convert_element_type3A_100 = arith.fptosi %get3A_99 : vector<16xf32> to vector<16xi32>
      %sub3A_101 = arith.constant 1 : i32
      %sub3A_102 = vector.broadcast %sub3A_101 : i32 to vector<16xi32>
      %sub3A_103 = arith.subi %sub3A_102, %convert_element_type3A_100 : vector<16xi32>
      %swap3A_104 = arith.constant 48 : i32
      %swap3A_105 = arith.index_cast %add3A_62 : i32 to index
      %swap3A_106 = arith.index_cast %swap3A_104 : i32 to index
      %swap3A_107 = tpu.vector_load %arg5[%swap3A_105, %swap3A_106] {strides = array<i32>} : memref<512x100xi32, #tpu.memory_space<vmem>>, vector<16xi32>,
      tpu.vector_store %arg5[%swap3A_105, %swap3A_106], %sub3A_103 {strides = array<i32>} : memref<512x100xi32, #tpu.memory_space<vmem>>, vector<16xi32>,
      %get3A_108 = arith.constant 64 : i32
      %get3A_109 = arith.index_cast %add3A_62 : i32 to index
      %get3A_110 = arith.index_cast %get3A_108 : i32 to index
      %get3A_111 = tpu.vector_load %arg6[%get3A_109, %get3A_110] {strides = array<i32>} : memref<512x100xf32, #tpu.memory_space<vmem>>, vector<16xf32>,
      %convert_element_type3A_112 = arith.fptosi %get3A_111 : vector<16xf32> to vector<16xi32>
      %sub3A_113 = arith.constant 1 : i32
      %sub3A_114 = vector.broadcast %sub3A_113 : i32 to vector<16xi32>
      %sub3A_115 = arith.subi %sub3A_114, %convert_element_type3A_112 : vector<16xi32>
      %swap3A_116 = arith.constant 64 : i32
      %swap3A_117 = arith.index_cast %add3A_62 : i32 to index
      %swap3A_118 = arith.index_cast %swap3A_116 : i32 to index
      %swap3A_119 = tpu.vector_load %arg5[%swap3A_117, %swap3A_118] {strides = array<i32>} : memref<512x100xi32, #tpu.memory_space<vmem>>, vector<16xi32>,
      tpu.vector_store %arg5[%swap3A_117, %swap3A_118], %sub3A_115 {strides = array<i32>} : memref<512x100xi32, #tpu.memory_space<vmem>>, vector<16xi32>,
      %get3A_120 = arith.constant 80 : i32
      %get3A_121 = arith.index_cast %add3A_62 : i32 to index
      %get3A_122 = arith.index_cast %get3A_120 : i32 to index
      %get3A_123 = tpu.vector_load %arg6[%get3A_121, %get3A_122] {strides = array<i32>} : memref<512x100xf32, #tpu.memory_space<vmem>>, vector<16xf32>,
      %convert_element_type3A_124 = arith.fptosi %get3A_123 : vector<16xf32> to vector<16xi32>
      %sub3A_125 = arith.constant 1 : i32
      %sub3A_126 = vector.broadcast %sub3A_125 : i32 to vector<16xi32>
      %sub3A_127 = arith.subi %sub3A_126, %convert_element_type3A_124 : vector<16xi32>
      %swap3A_128 = arith.constant 80 : i32
      %swap3A_129 = arith.index_cast %add3A_62 : i32 to index
      %swap3A_130 = arith.index_cast %swap3A_128 : i32 to index
      %swap3A_131 = tpu.vector_load %arg5[%swap3A_129, %swap3A_130] {strides = array<i32>} : memref<512x100xi32, #tpu.memory_space<vmem>>, vector<16xi32>,
      tpu.vector_store %arg5[%swap3A_129, %swap3A_130], %sub3A_127 {strides = array<i32>} : memref<512x100xi32, #tpu.memory_space<vmem>>, vector<16xi32>,
      %get3A_132 = arith.constant 84 : i32
      %get3A_133 = arith.index_cast %add3A_62 : i32 to index
      %get3A_134 = arith.index_cast %get3A_132 : i32 to index
      %get3A_135 = tpu.vector_load %arg6[%get3A_133, %get3A_134] {strides = array<i32>} : memref<512x100xf32, #tpu.memory_space<vmem>>, vector<16xf32>,
      %convert_element_type3A_136 = arith.fptosi %get3A_135 : vector<16xf32> to vector<16xi32>
      %sub3A_137 = arith.constant 1 : i32
      %sub3A_138 = vector.broadcast %sub3A_137 : i32 to vector<16xi32>
      %sub3A_139 = arith.subi %sub3A_138, %convert_element_type3A_136 : vector<16xi32>
      %swap3A_140 = arith.constant 84 : i32
      %swap3A_141 = arith.index_cast %add3A_62 : i32 to index
      %swap3A_142 = arith.index_cast %swap3A_140 : i32 to index
      %swap3A_143 = tpu.vector_load %arg5[%swap3A_141, %swap3A_142] {strides = array<i32>} : memref<512x100xi32, #tpu.memory_space<vmem>>, vector<16xi32>,
      tpu.vector_store %arg5[%swap3A_141, %swap3A_142], %sub3A_139 {strides = array<i32>} : memref<512x100xi32, #tpu.memory_space<vmem>>, vector<16xi32>,
    }
    %while3A_59 = arith.constant 1 : i32
    scf.for %while3A_60 = %while3A_57 to %while3A_53 step %while3A_59  : i32 {
      %mul3A_61 = arith.muli %while3A_60, %while3A_49 : i32
      %add3A_62 = arith.addi %while3A_50, %mul3A_61 : i32
      %get3A = arith.constant 0 : i32
      %get3A_63 = arith.index_cast %add3A_62 : i32 to index
      %get3A_64 = arith.index_cast %get3A : i32 to index
      %get3A_65 = tpu.vector_load %arg6[%get3A_63, %get3A_64] {strides = array<i32>} : memref<512x100xf32, #tpu.memory_space<vmem>>, vector<16xf32>,
      %convert_element_type3A = arith.fptosi %get3A_65 : vector<16xf32> to vector<16xi32>
      %sub3A_66 = arith.constant 1 : i32
      %sub3A_67 = vector.broadcast %sub3A_66 : i32 to vector<16xi32>
      %sub3A_68 = arith.subi %sub3A_67, %convert_element_type3A : vector<16xi32>
      %swap3A = arith.constant 0 : i32
      %swap3A_69 = arith.index_cast %add3A_62 : i32 to index
      %swap3A_70 = arith.index_cast %swap3A : i32 to index
      %swap3A_71 = tpu.vector_load %arg5[%swap3A_69, %swap3A_70] {strides = array<i32>} : memref<512x100xi32, #tpu.memory_space<vmem>>, vector<16xi32>,
      tpu.vector_store %arg5[%swap3A_69, %swap3A_70], %sub3A_68 {strides = array<i32>} : memref<512x100xi32, #tpu.memory_space<vmem>>, vector<16xi32>,
      %get3A_72 = arith.constant 16 : i32
      %get3A_73 = arith.index_cast %add3A_62 : i32 to index
      %get3A_74 = arith.index_cast %get3A_72 : i32 to index
      %get3A_75 = tpu.vector_load %arg6[%get3A_73, %get3A_74] {strides = array<i32>} : memref<512x100xf32, #tpu.memory_space<vmem>>, vector<16xf32>,
      %convert_element_type3A_76 = arith.fptosi %get3A_75 : vector<16xf32> to vector<16xi32>
      %sub3A_77 = arith.constant 1 : i32
      %sub3A_78 = vector.broadcast %sub3A_77 : i32 to vector<16xi32>
      %sub3A_79 = arith.subi %sub3A_78, %convert_element_type3A_76 : vector<16xi32>
      %swap3A_80 = arith.constant 16 : i32
      %swap3A_81 = arith.index_cast %add3A_62 : i32 to index
      %swap3A_82 = arith.index_cast %swap3A_80 : i32 to index
      %swap3A_83 = tpu.vector_load %arg5[%swap3A_81, %swap3A_82] {strides = array<i32>} : memref<512x100xi32, #tpu.memory_space<vmem>>, vector<16xi32>,
      tpu.vector_store %arg5[%swap3A_81, %swap3A_82], %sub3A_79 {strides = array<i32>} : memref<512x100xi32, #tpu.memory_space<vmem>>, vector<16xi32>,
      %get3A_84 = arith.constant 32 : i32
      %get3A_85 = arith.index_cast %add3A_62 : i32 to index
      %get3A_86 = arith.index_cast %get3A_84 : i32 to index
      %get3A_87 = tpu.vector_load %arg6[%get3A_85, %get3A_86] {strides = array<i32>} : memref<512x100xf32, #tpu.memory_space<vmem>>, vector<16xf32>,
      %convert_element_type3A_88 = arith.fptosi %get3A_87 : vector<16xf32> to vector<16xi32>
      %sub3A_89 = arith.constant 1 : i32
      %sub3A_90 = vector.broadcast %sub3A_89 : i32 to vector<16xi32>
      %sub3A_91 = arith.subi %sub3A_90, %convert_element_type3A_88 : vector<16xi32>
      %swap3A_92 = arith.constant 32 : i32
      %swap3A_93 = arith.index_cast %add3A_62 : i32 to index
      %swap3A_94 = arith.index_cast %swap3A_92 : i32 to index
      %swap3A_95 = tpu.vector_load %arg5[%swap3A_93, %swap3A_94] {strides = array<i32>} : memref<512x100xi32, #tpu.memory_space<vmem>>, vector<16xi32>,
      tpu.vector_store %arg5[%swap3A_93, %swap3A_94], %sub3A_91 {strides = array<i32>} : memref<512x100xi32, #tpu.memory_space<vmem>>, vector<16xi32>,
      %get3A_96 = arith.constant 48 : i32
      %get3A_97 = arith.index_cast %add3A_62 : i32 to index
      %get3A_98 = arith.index_cast %get3A_96 : i32 to index
      %get3A_99 = tpu.vector_load %arg6[%get3A_97, %get3A_98] {strides = array<i32>} : memref<512x100xf32, #tpu.memory_space<vmem>>, vector<16xf32>,
      %convert_element_type3A_100 = arith.fptosi %get3A_99 : vector<16xf32> to vector<16xi32>
      %sub3A_101 = arith.constant 1 : i32
      %sub3A_102 = vector.broadcast %sub3A_101 : i32 to vector<16xi32>
      %sub3A_103 = arith.subi %sub3A_102, %convert_element_type3A_100 : vector<16xi32>
      %swap3A_104 = arith.constant 48 : i32
      %swap3A_105 = arith.index_cast %add3A_62 : i32 to index
      %swap3A_106 = arith.index_cast %swap3A_104 : i32 to index
      %swap3A_107 = tpu.vector_load %arg5[%swap3A_105, %swap3A_106] {strides = array<i32>} : memref<512x100xi32, #tpu.memory_space<vmem>>, vector<16xi32>,
      tpu.vector_store %arg5[%swap3A_105, %swap3A_106], %sub3A_103 {strides = array<i32>} : memref<512x100xi32, #tpu.memory_space<vmem>>, vector<16xi32>,
      %get3A_108 = arith.constant 64 : i32
      %get3A_109 = arith.index_cast %add3A_62 : i32 to index
      %get3A_110 = arith.index_cast %get3A_108 : i32 to index
      %get3A_111 = tpu.vector_load %arg6[%get3A_109, %get3A_110] {strides = array<i32>} : memref<512x100xf32, #tpu.memory_space<vmem>>, vector<16xf32>,
      %convert_element_type3A_112 = arith.fptosi %get3A_111 : vector<16xf32> to vector<16xi32>
      %sub3A_113 = arith.constant 1 : i32
      %sub3A_114 = vector.broadcast %sub3A_113 : i32 to vector<16xi32>
      %sub3A_115 = arith.subi %sub3A_114, %convert_element_type3A_112 : vector<16xi32>
      %swap3A_116 = arith.constant 64 : i32
      %swap3A_117 = arith.index_cast %add3A_62 : i32 to index
      %swap3A_118 = arith.index_cast %swap3A_116 : i32 to index
      %swap3A_119 = tpu.vector_load %arg5[%swap3A_117, %swap3A_118] {strides = array<i32>} : memref<512x100xi32, #tpu.memory_space<vmem>>, vector<16xi32>,
      tpu.vector_store %arg5[%swap3A_117, %swap3A_118], %sub3A_115 {strides = array<i32>} : memref<512x100xi32, #tpu.memory_space<vmem>>, vector<16xi32>,
      %get3A_120 = arith.constant 80 : i32
      %get3A_121 = arith.index_cast %add3A_62 : i32 to index
      %get3A_122 = arith.index_cast %get3A_120 : i32 to index
      %get3A_123 = tpu.vector_load %arg6[%get3A_121, %get3A_122] {strides = array<i32>} : memref<512x100xf32, #tpu.memory_space<vmem>>, vector<16xf32>,
      %convert_element_type3A_124 = arith.fptosi %get3A_123 : vector<16xf32> to vector<16xi32>
      %sub3A_125 = arith.constant 1 : i32
      %sub3A_126 = vector.broadcast %sub3A_125 : i32 to vector<16xi32>
      %sub3A_127 = arith.subi %sub3A_126, %convert_element_type3A_124 : vector<16xi32>
      %swap3A_128 = arith.constant 80 : i32
      %swap3A_129 = arith.index_cast %add3A_62 : i32 to index
      %swap3A_130 = arith.index_cast %swap3A_128 : i32 to index
      %swap3A_131 = tpu.vector_load %arg5[%swap3A_129, %swap3A_130] {strides = array<i32>} : memref<512x100xi32, #tpu.memory_space<vmem>>, vector<16xi32>,
      tpu.vector_store %arg5[%swap3A_129, %swap3A_130], %sub3A_127 {strides = array<i32>} : memref<512x100xi32, #tpu.memory_space<vmem>>, vector<16xi32>,
      %get3A_132 = arith.constant 84 : i32
      %get3A_133 = arith.index_cast %add3A_62 : i32 to index
      %get3A_134 = arith.index_cast %get3A_132 : i32 to index
      %get3A_135 = tpu.vector_load %arg6[%get3A_133, %get3A_134] {strides = array<i32>} : memref<512x100xf32, #tpu.memory_space<vmem>>, vector<16xf32>,
      %convert_element_type3A_136 = arith.fptosi %get3A_135 : vector<16xf32> to vector<16xi32>
      %sub3A_137 = arith.constant 1 : i32
      %sub3A_138 = vector.broadcast %sub3A_137 : i32 to vector<16xi32>
      %sub3A_139 = arith.subi %sub3A_138, %convert_element_type3A_136 : vector<16xi32>
      %swap3A_140 = arith.constant 84 : i32
      %swap3A_141 = arith.index_cast %add3A_62 : i32 to index
      %swap3A_142 = arith.index_cast %swap3A_140 : i32 to index
      %swap3A_143 = tpu.vector_load %arg5[%swap3A_141, %swap3A_142] {strides = array<i32>} : memref<512x100xi32, #tpu.memory_space<vmem>>, vector<16xi32>,
      tpu.vector_store %arg5[%swap3A_141, %swap3A_142], %sub3A_139 {strides = array<i32>} : memref<512x100xi32, #tpu.memory_space<vmem>>, vector<16xi32>,
    }
    "tpu.trace_stop"() : () -> ()
    "tpu.trace_start"() <{level = 10 : i32, message = "copyout"}> : () -> ()
    "tpu.region"() ({
      %run_scoped3A = tpu.sem_alloc : memref<!tpu.dma_semaphore, #tpu.memory_space<semaphore_mem>>
      %dma_start3A = arith.constant 0 : i32
      %dma_start3A_60 = tpu.memref_slice %arg4[%mul3A_2, %dma_start3A] : memref<16384x100xi32, #tpu.memory_space<hbm>> -> memref<512x100xi32, #tpu.memory_space<hbm>>
      %dma_start3A_61 = arith.constant 0 : i32
      %dma_start3A_62 = tpu.memref_slice %arg4[%mul3A_2, %dma_start3A_61] : memref<16384x100xi32, #tpu.memory_space<hbm>> -> memref<512x100xi32, #tpu.memory_space<hbm>>
      tpu.enqueue_dma source(%arg5 : memref<512x100xi32, #tpu.memory_space<vmem>>) target(%dma_start3A_62 : memref<512x100xi32, #tpu.memory_space<hbm>>) target_semaphore(%run_scoped3A : memref<!tpu.dma_semaphore, #tpu.memory_space<semaphore_mem>>)
      %dma_wait3A = arith.constant 0 : i32
      %dma_wait3A_63 = tpu.memref_slice %arg4[%mul3A_2, %dma_wait3A] : memref<16384x100xi32, #tpu.memory_space<hbm>> -> memref<512x100xi32, #tpu.memory_space<hbm>>
      %dma_wait3A_64 = arith.constant 0 : i32
      %dma_wait3A_65 = tpu.memref_slice %arg4[%mul3A_2, %dma_wait3A_64] : memref<16384x100xi32, #tpu.memory_space<hbm>> -> memref<512x100xi32, #tpu.memory_space<hbm>>
      tpu.wait_dma2 semaphore(%run_scoped3A : memref<!tpu.dma_semaphore, #tpu.memory_space<semaphore_mem>>) src(%arg5 : memref<512x100xi32, #tpu.memory_space<vmem>>) dst(%dma_wait3A_65 : memref<512x100xi32, #tpu.memory_space<hbm>>)
      tpu.yield
    }) : () -> ()
    "tpu.trace_stop"() : () -> ()
    return
  }
}

</mosaic_0001>

<sc_bundles>
// kernel: kernel.3.cloned.1.call-start
scs
__scs_entry_jumppad:
0x0: {  	(pc) =	sbr.rel $0x88, $3  }
0x1: {  	(tag) =	ssettag $0x0;
	lr =	simm.s32 $0x1  }
0x2: {  	[smem:$0x3F9F] =	sst lr;
	_ =	strace $0xD0000000  }
0x3: {  	_ = 	snop  }
0x4: {  	_ = 	snop  }
0x5: {  	_ = 	snop  }
0x6: {  	_ = 	snop  }
0x7: {  	_ = 	snop  }
__scs_overlays_trampoline_lowered:
0x8: {  	[smem:$0x3FAE] =	sst s0  }
0x9: {  	[smem:$0x3FAF] =	sst s1  }
0xa: {  	[smem:$0x3FB0] =	sst s2  }
0xb: {  	[smem:$0x3FB1] =	sst s3  }
0xc: {  	[smem:$0x3FB2] =	sst s4  }
0xd: {  	[smem:$0x3FB3] =	sst s5  }
0xe: {  	[smem:$0x3FB4] =	sst s6  }
0xf: {  	[smem:$0x3FB5] =	sst s7  }
0x10: {  	[smem:$0x3FB6] =	sst s8  }
0x11: {  	[smem:$0x3FB7] =	sst s9;
	s0 =	simm.s32 @!p0 $0x0  }
0x12: {  	s1 =	sld [smem:$0x3F9D];
	s0 =	simm.s32 @p0 $0x1  }
0x13: {  	[smem:$0x3FB8] =	sst s0;
	s0 =	simm.s32 @!p1 $0x0  }
0x14: {  	s2 =	sld [smem:$0x3F9C];
	s0 =	simm.s32 @p1 $0x1  }
0x15: {  	[smem:$0x3FB9] =	sst s0;
	s0 =	simm.s32 @!p2 $0x0  }
0x16: {  	s3 =	sld [smem:$0x3FDB];
	s0 =	simm.s32 @p2 $0x1  }
0x17: {  	s4 =	simm.s32 $0x1BF5;
	[smem:$0x3FBB] =	sst s0  }
0x18: {  	s0 =	sld [smem:$0x3F9E];
	_ =	swait.ge [sflag:s4], $0x0  }
0x19: {  	s7 =	sld [smem:$0x3F9F]  }
0x1a: {  	s8 =	sadd.s32 $0xFFFFE003, lr  }
0x1b: {  	s9 =	sadd.s32 $0xFFFFFEF7, lr;
	s5 =	simm.s32 $0xFFFFFFFF;
	p2 =	slt.u32 s8, $0xFFFFF086  }
0x1c: {  	p1 =	slt.u32 s9, $0xF7A;
	s5 =	simm.s32 @!p2 $0x0  }
0x1d: {  	s5 =	simm.s32 @p1 $0x1;
	p0 =	seq.s32 s7, s2  }
0x1e: {  	s7 =	smul.u32 @!p0 $0xF7A, s2;
	p2 =	seq.s32 @!p0 s5, $0x0  }
0x1f: {  	s9 =	smul.u32 $0xF7A, s1;
	s8 =	simm.s32 @!p0 $0x1BF5;
	p2 =	por !p2, p0  }
0x20: {  	[sflag:s8] =	ssyncset.s32 @!p0 $0xFFFFF086;
	s6 =	sadd.s32 @!p0 s3, s7;
	s7 =	simm.s32 @!p0 $0x108  }
0x21: {  	s3 =	sadd.s32 s3, s9;
	s6 =	sadd.s32 @!p0 $0x88, s6;
	s7 =	simm.s32 @p2 $0x1082  }
0x22: {  	[simem:s7], [sflag:s8] =	dma.local @!p0 [hbm:s6], $0xF7A  }
0x23: {  	s9 =	sor.u32 $0xD0000000, s2;
	s6 =	simm.s32 $0x108;
	_ =	swait.ge @!p0 [sflag:s8], $0x0  }
0x24: {  	s3 =	sadd.s32 $0x88, s3;
	s6 =	simm.s32 @!p1 $0x1082;
	[sflag:s4] =	ssyncset.s32 $0xFFFFF086  }
0x25: {  	[simem:s6], [sflag:s4] =	dma.local [hbm:s3], $0xF7A  }
0x26: {  	[smem:$0x3F9F] =	sst s1;
	(tag) =	ssettag s2;
	_ =	strace s9  }
0x27: {  	s1 =	sld [smem:$0x3FAF]  }
0x28: {  	s2 =	sld [smem:$0x3FB0]  }
0x29: {  	s4 =	sld [smem:$0x3FB2]  }
0x2a: {  	p0 =	seq.s32 s5, $0x0;
	s5 =	sld [smem:$0x3FB3]  }
0x2b: {  	s6 =	sld [smem:$0x3FB4]  }
0x2c: {  	s7 =	sld [smem:$0x3FB5]  }
0x2d: {  	s3 =	simm.s32 $0x108;
	s8 =	sld [smem:$0x3FB6]  }
0x2e: {  	s3 =	simm.s32 @!p0 $0x1082;
	s9 =	sld [smem:$0x3FB7]  }
0x2f: {  	lr =	sadd.s32 s0, s3;
	s0 =	sld [smem:$0x3FAE]  }
0x30: {  	s3 =	sld [smem:$0x3FB1]  }
0x31: {  	[smem:$0x3FBA] =	sst s10  }
0x32: {  	s10 =	sld [smem:$0x3FB8];
	_ =	sdelay $0x3  }
0x33: {  	p0 =	seq.s32 s10, $0x1;
	s10 =	sld [smem:$0x3FBA];
	_ =	sdelay $0x3  }
0x34: {  	[smem:$0x3FBA] =	sst s10  }
0x35: {  	s10 =	sld [smem:$0x3FB9];
	_ =	sdelay $0x3  }
0x36: {  	p1 =	seq.s32 s10, $0x1;
	s10 =	sld [smem:$0x3FBA];
	_ =	sdelay $0x3  }
0x37: {  	[smem:$0x3FBA] =	sst s10  }
0x38: {  	s10 =	sld [smem:$0x3FBB]  }
0x39: {  	_ = 	snop;
	(pc) =	sbr.ind lr, $3  }
0x3a: {  	_ = 	snop  }
0x3b: {  	_ = 	snop  }
0x3c: {  	p2 =	seq.s32 s10, $0x1;
	s10 =	sld [smem:$0x3FBA]  }
0x3d: {  	_ =	shalt  }
0x3e: {  	_ =	shalt  }
0x3f: {  	_ =	shalt  }
0x40: {  	_ =	shalt  }
0x41: {  	_ =	shalt  }
0x42: {  	_ =	shalt  }
0x43: {  	_ =	shalt  }
0x44: {  	_ =	shalt  }
0x45: {  	_ =	shalt  }
0x46: {  	_ =	shalt  }
0x47: {  	_ =	shalt  }
0x48: {  	_ =	shalt  }
0x49: {  	_ =	shalt  }
0x4a: {  	_ =	shalt  }
0x4b: {  	_ =	shalt  }
0x4c: {  	_ =	shalt  }
0x4d: {  	_ =	shalt  }
0x4e: {  	_ =	shalt  }
0x4f: {  	_ =	shalt  }
0x50: {  	_ =	shalt  }
0x51: {  	_ =	shalt  }
0x52: {  	_ =	shalt  }
0x53: {  	_ =	shalt  }
0x54: {  	_ =	shalt  }
0x55: {  	_ =	shalt  }
0x56: {  	_ =	shalt  }
0x57: {  	_ =	shalt  }
0x58: {  	_ =	shalt  }
0x59: {  	_ =	shalt  }
0x5a: {  	_ =	shalt  }
0x5b: {  	_ =	shalt  }
0x5c: {  	_ =	shalt  }
0x5d: {  	_ =	shalt  }
0x5e: {  	_ =	shalt  }
0x5f: {  	_ =	shalt  }
0x60: {  	_ =	shalt  }
0x61: {  	_ =	shalt  }
0x62: {  	_ =	shalt  }
0x63: {  	_ =	shalt  }
0x64: {  	_ =	shalt  }
0x65: {  	_ =	shalt  }
0x66: {  	_ =	shalt  }
0x67: {  	_ =	shalt  }
0x68: {  	_ =	shalt  }
0x69: {  	_ =	shalt  }
0x6a: {  	_ =	shalt  }
0x6b: {  	_ =	shalt  }
0x6c: {  	_ =	shalt  }
0x6d: {  	_ =	shalt  }
0x6e: {  	_ =	shalt  }
0x6f: {  	_ =	shalt  }
0x70: {  	_ =	shalt  }
0x71: {  	_ =	shalt  }
0x72: {  	_ =	shalt  }
0x73: {  	_ =	shalt  }
0x74: {  	_ =	shalt  }
0x75: {  	_ =	shalt  }
0x76: {  	_ =	shalt  }
0x77: {  	_ =	shalt  }
0x78: {  	_ =	shalt  }
0x79: {  	_ =	shalt  }
0x7a: {  	_ =	shalt  }
0x7b: {  	_ =	shalt  }
0x7c: {  	_ =	shalt  }
0x7d: {  	_ =	shalt  }
0x7e: {  	_ =	shalt  }
0x7f: {  	_ =	shalt  }
0x80: {  	_ =	shalt  }
0x81: {  	_ =	shalt  }
0x82: {  	_ =	shalt  }
0x83: {  	_ =	shalt  }
0x84: {  	_ =	shalt  }
0x85: {  	_ =	shalt  }
0x86: {  	_ =	shalt  }
0x87: {  	_ =	shalt  }
.Lfunc_end0:
.L_simem_size_0:
called_computation_lowered:
.L_overlay_start_0:
0x88: {  	s2 =	sld [smem:$0x3FD9]  }
0x89: {  	s3 =	sld [smem:$0x3FFE];
	_ =	sdelay $0x1  }
0x8a: {  	s1 =	srdreg.scid  }
0x8b: {  	s0 =	sand.u32 $0x1, s1  }
0x8c: {  	s17 =	sshll.u32 s0, $0xA;
	s2 =	sadd.s32 s3, s2  }
0x8d: {  	s2 =	sadd.s32 s2, s17  }
0x8e: {  	[smem:$0x3FC6] =	sst s2  }
0x8f: {  	_ = 	snop  }
0x90: {  	s2 =	sld [smem:$0x3FC8]  }
0x91: {  	s18 =	sld [smem:$0x3FD0];
	(tm) =	ssettm $0x1  }
0x92: {  	s4 =	sld [smem:$0x3FFB];
	_ =	sdelay $0x3  }
0x93: {  	_ =	strace s4  }
0x94: {  	s4 =	sld [smem:$0x3FFC];
	_ =	sdelay $0x3  }
0x95: {  	_ =	strace s4  }
0x96: {  	s4 =	sld [smem:$0x3FFD];
	_ =	sdelay $0x3  }
0x97: {  	_ =	strace s4  }
0x98: {  	_ =	strace $0x8FFFFFFF  }
0x99: {  	s19 =	sld [smem:$0x3FDB];
	_ =	sdelay $0x1  }
0x9a: {  	s5 =	simm.s32 $_scs_section_size  }
0x9b: {  	s6 =	simm.s32 $_size__tile_overlayer_lowered;
	s7 =	simm.s32 $_tile_overlayer_lowered  }
0x9c: {  	s22 =	simm.s32 $0x1BFF;
	s21 =	sshll.u32 s7, $0x1;
	s4 =	sadd.s32 s5, s19  }
0x9d: {  	s8 =	simm.s32 $0x0;
	s20 =	sshll.u32 s6, $0x1;
	s6 =	sadd.s32 s21, s4  }
0x9e: {  	[timem:s8], [sflag:s22] =	dma.local [hbm:s6], s20  }
0x9f: {  	_ =	swait.ge [sflag:s22], s20  }
0xa0: {  	s5 =	ssub.s32 $0x0, s20;
	[sflag:s22] =	ssyncset.done $0x0  }
0xa1: {  	[sflag:s22] =	ssyncadd.s32 s5;
	_ =	sdelay $0x1  }
0xa2: {  	s23 =	simm.s32 $0x1B8B  }
0xa3: {  	_ =	swait.ge [sflag:s23], $0x1  }
0xa4: {  	[sflag:s23] =	ssyncset.done $0x0  }
0xa5: {  	s25 =	simm.s32 $0x1B8E;
	s24 =	sld [smem:$0x3FFE];
	[sflag:s23] =	ssyncadd.s32 $0xFFFFFFFF  }
0xa6: {  	s26 =	simm.s32 $execute0_lowered;
	[smem:$0x3FD2] =	sst s25  }
0xa7: {  	s6 =	sshll.u32 s26, $0x1;
	_ =	strace $0x80000046;
	[dreg:$0x1] =	wrdreg $0xFFFFFFFF  }
0xa8: {  	s28 =	simm.s32 $_size_execute0_lowered;
	s4 =	sadd.s32 s4, s6;
	[dreg:$0x0] =	wrdreg $0x0  }
0xa9: {  	s6 =	sshll.u32 s28, $0x1;
	[dreg:$0x2] =	wrdreg s4  }
0xaa: {  	[dreg:$0x3] =	wrdreg s6  }
0xab: {  	[dreg:$0x4] =	wrdreg $0xC0  }
0xac: {  	_ =	task [dreg:s8], $0x5FFFF  }
0xad: {  	[dreg:$0x1] =	wrdreg $0xFFFFFFFF  }
0xae: {  	[dreg:$0x0] =	wrdreg $0x60  }
0xaf: {  	[dreg:$0x2] =	wrdreg s18  }
0xb0: {  	[dreg:$0x3] =	wrdreg s2  }
0xb1: {  	[dreg:$0x4] =	wrdreg s24  }
0xb2: {  	[dreg:$0x5] =	wrdreg $0x9  }
0xb3: {  	_ =	task.clear_ibuf [dreg:s8], $0x6FFFF;
	_ =	strace $0x90000046  }
0xb4: {  	s29 =	simm.s32 $0x9;
	_ =	strace $0x8000004D  }
0xb5: {  	_ =	swait.ge [sflag:s29], $0x1  }
0xb6: {  	[sflag:s29] =	ssyncadd.s32 $0xFFFFFFFF  }
0xb7: {  	_ =	strace $0x9000004D  }
0xb8: {  	_ =	sfence  }
0xb9: {  	s30 =	sld [smem:$0x0];
	_ =	sdelay $0x2  }
0xba: {  	s31 =	sshll.u32 s1, $0xD;
	s1 =	sshrl.u32 s1, $0x2  }
0xbb: {  	s3 =	sand.u32 $0x4000, s31;
	s1 =	sadd.s32 s1, s30  }
0xbc: {  	s0 =	sor.u32 s3, s0;
	s1 =	sshll.u32 s1, $0x11  }
0xbd: {  	s0 =	sor.u32 s1, s0  }
0xbe: {  	s0 =	sadd.s32 $0x8F2B, s0  }
0xbf: {  	[sflag:s0] =	ssyncadd.remote.s32 $0x1  }
0xc0: {  	_ =	sfence.sel $0xFFFF  }
0xc1: {  	[dreg:$0x0] =	wrdreg $0xFFFFFFFF;
	(pc) =	sbr.abs _section_cstart, $3  }
0xc2: {  	[dreg:$0x1] =	wrdreg $0xFFFFFFFF  }
0xc3: {  	_ =	task.clear_ibuf [dreg:s8], $0x2FFFF;
	_ =	strace $0x9FFFFFFF  }
0xc4: {  	(tm) =	ssettm $0x7FFFFFFF  }
0xc5: {  	_ =	shalt  }
tec
execute0_lowered:
.L_overlay_start_1:
0x0: {  	(tag) =	ssettag $0x1  }
0x1: {  	s4 =	rddreg [dreg:$0x0]  }
0x2: {  	s1 =	rddreg [dreg:$0x1]  }
0x3: {  	s5 =	rddreg [dreg:$0x2]  }
0x4: {  	s0 =	rddreg [dreg:$0x3];
	s3 =	simm.s32 $0x0;
	s6 =	srdreg.scid  }
0x5: {  	s2 =	stileid.u32;
	s9 =	simm.s32 $0x1;
	s10 =	simm.s32 $0x0  }
0x6: {  	[smem:$0x7FF] =	sst s3;
	s6 =	sand.u32 $0x1, s6;
	s7 =	sshll.u32 s2, $0xE  }
0x7: {  	s8 =	sshll.u32 s6, $0xD;
	s6 =	ssub.s32 $0x2, s6;
	_ =	strace $0x80000047  }
0x8: {  	s7 =	sor.u32 s8, s7;
	s31 =	sshrl.u32 s6, $0x1;
	s8 =	simm.s32 $0x64  }
0x9: {  	s5 =	sadd.s32 s7, s5;
	s6 =	ssub.s32 s6, s31;
	s4 =	sadd.s32 s4, s7  }
0xa: {  	s7 =	simm.s32 $0x2;
	s5 =	sadd.s32 $0x600, s5;
	s6 =	smax.u32 s6, $0x1  }
.LBB2_1:
0xb: {  	_ =	strace $0x80000048  }
0xc: {  	[tilespmem:s3], [sflag:$0x2] =	stream.linear.gather [hbm4b:s4+s3], $0x10000, $0x200038;
	v63 =	vld [tilespmem:$0x0]  }
0xd: {  	_ =	swait.ge [sflag:s7], $0x10000  }
0xe: {  	[sflag:s7] =	ssyncset.done $0x0  }
0xf: {  	[sflag:s7] =	ssyncadd.s32 $0xFFFF0000  }
0x10: {  	s11 =	simm.s32 $0x0;
	s12 =	simm.s32 $0x10000;
	_ =	strace $0x90000048  }
0x11: {  	s28 =	simm.s32 $0x10080;
	s29 =	simm.s32 $0x80;
	_ =	strace $0x80000049  }
0x12: {  	[tilespmem:s12], [sflag:$0x1] =	stream.indirect.gather [hbm4b:s1+s8], $0x1, s11, s8, $0x2000b8;
	v63 =	vld [tilespmem:$0x0]  }
0x13: {  	s30 =	simm.s32 $0x10100;
	s31 =	simm.s32 $0x100;
	s13 =	simm.s32 $0x10180  }
0x14: {  	[tilespmem:s28], [sflag:$0x1] =	stream.indirect.gather [hbm4b:s1+s8], $0x1, s29, s8, $0x2000b8;
	v63 =	vld [tilespmem:$0x0]  }
0x15: {  	s14 =	simm.s32 $0x180;
	s11 =	simm.s32 $0x200;
	s12 =	simm.s32 $0x1000  }
0x16: {  	[tilespmem:s30], [sflag:$0x1] =	stream.indirect.gather [hbm4b:s1+s8], $0x1, s31, s8, $0x2000b8;
	v63 =	vld [tilespmem:$0x0]  }
.LBB2_2:
0x17: {  	[tilespmem:s13], [sflag:$0x1] =	stream.indirect.gather [hbm4b:s1+s8], $0x1, s14, s8, $0x2000b8;
	v63 =	vld [tilespmem:$0x0]  }
0x18: {  	s13 =	smov.u32 s12;
	s16 =	sadd.s32 $0x800, s12  }
0x19: {  	p0 =	sne.s32 s12, $0x3F800;
	s15 =	sshra.s32 s13, $0x2;
	s13 =	sadd.s32 $0x10000, s11  }
0x1a: {  	[tilespmem:s13], [sflag:$0x1] =	stream.indirect.gather [hbm4b:s1+s8], $0x1, s11, s8, $0x2000b8;
	v63 =	vld [tilespmem:$0x0]  }
.Ltmp0:
0x1b: {  	s14 =	sadd.s32 $0x80, s11;
	s13 =	sadd.s32 $0x10080, s11;
	(pc) =	sbr.rel @p0 .LBB2_2-.Ltmp0, $4  }
0x1c: {  	[tilespmem:s13], [sflag:$0x1] =	stream.indirect.gather [hbm4b:s1+s8], $0x1, s14, s8, $0x2000b8;
	v63 =	vld [tilespmem:$0x0]  }
0x1d: {  	s12 =	sadd.s32 $0x10100, s11;
	s13 =	sadd.s32 $0x100, s11;
	s14 =	sadd.s32 $0x180, s11  }
0x1e: {  	[tilespmem:s12], [sflag:$0x1] =	stream.indirect.gather [hbm4b:s1+s8], $0x1, s13, s8, $0x2000b8;
	v63 =	vld [tilespmem:$0x0]  }
0x1f: {  	s13 =	sadd.s32 $0x10180, s11;
	s11 =	smov.u32 s15;
	s12 =	smov.u32 s16  }
0x20: {  	[tilespmem:s13], [sflag:$0x1] =	stream.indirect.gather [hbm4b:s1+s8], $0x1, s14, s8, $0x2000b8;
	v63 =	vld [tilespmem:$0x0]  }
0x21: {  	s12 =	sadd.s32 $0x10000, s11  }
0x22: {  	[tilespmem:s12], [sflag:$0x1] =	stream.indirect.gather [hbm4b:s1+s8], $0x1, s11, s8, $0x2000b8;
	v63 =	vld [tilespmem:$0x0]  }
0x23: {  	s25 =	sadd.s32 $0x10080, s11;
	s26 =	sadd.s32 $0x80, s11  }
0x24: {  	[tilespmem:s25], [sflag:$0x1] =	stream.indirect.gather [hbm4b:s1+s8], $0x1, s26, s8, $0x2000b8;
	v63 =	vld [tilespmem:$0x0]  }
0x25: {  	s28 =	sadd.s32 $0x10100, s11;
	s29 =	sadd.s32 $0x100, s11  }
0x26: {  	[tilespmem:s28], [sflag:$0x1] =	stream.indirect.gather [hbm4b:s1+s8], $0x1, s29, s8, $0x2000b8;
	v63 =	vld [tilespmem:$0x0]  }
0x27: {  	s30 =	sadd.s32 $0x10180, s11;
	s31 =	sadd.s32 $0x180, s11  }
0x28: {  	[tilespmem:s30], [sflag:$0x1] =	stream.indirect.gather [hbm4b:s1+s8], $0x1, s31, s8, $0x2000b8;
	v63 =	vld [tilespmem:$0x0]  }
0x29: {  	_ =	strace $0x90000049  }
0x2a: {  	_ =	strace $0x8000004A  }
0x2b: {  	_ =	swait.ge [sflag:s9], $0x64  }
0x2c: {  	[sflag:s9] =	ssyncset.done $0x0  }
0x2d: {  	[sflag:s9] =	ssyncadd.s32 $0xFFFFFF9C  }
0x2e: {  	_ =	swait.ge [sflag:s9], $0x64  }
0x2f: {  	[sflag:s9] =	ssyncset.done $0x0  }
0x30: {  	[sflag:s9] =	ssyncadd.s32 $0xFFFFFF9C  }
0x31: {  	_ =	swait.ge [sflag:s9], $0x64  }
0x32: {  	[sflag:s9] =	ssyncset.done $0x0  }
0x33: {  	[sflag:s9] =	ssyncadd.s32 $0xFFFFFF9C  }
0x34: {  	_ =	swait.ge [sflag:s9], $0x64  }
0x35: {  	s11 =	simm.s32 $0x7F;
	[sflag:s9] =	ssyncset.done $0x0  }
.LBB2_4:
0x36: {  	p0 =	sne.s32 s11, $0x1;
	s11 =	sadd.s32 $0xFFFFFFFF, s11;
	[sflag:s9] =	ssyncadd.s32 $0xFFFFFF9C  }
0x37: {  	_ =	swait.ge [sflag:s9], $0x64  }
0x38: {  	[sflag:s9] =	ssyncset.done $0x0  }
0x39: {  	[sflag:s9] =	ssyncadd.s32 $0xFFFFFF9C  }
0x3a: {  	_ =	swait.ge [sflag:s9], $0x64  }
0x3b: {  	[sflag:s9] =	ssyncset.done $0x0  }
0x3c: {  	[sflag:s9] =	ssyncadd.s32 $0xFFFFFF9C  }
.Ltmp1:
0x3d: {  	_ =	swait.ge [sflag:s9], $0x64;
	(pc) =	sbr.rel @p0 .LBB2_4-.Ltmp1, $4  }
0x3e: {  	[sflag:s9] =	ssyncset.done $0x0  }
0x3f: {  	[sflag:s9] =	ssyncadd.s32 $0xFFFFFF9C  }
0x40: {  	_ =	swait.ge [sflag:s9], $0x64  }
0x41: {  	[sflag:s9] =	ssyncset.done $0x0  }
0x42: {  	[sflag:s9] =	ssyncadd.s32 $0xFFFFFF9C  }
0x43: {  	_ =	strace $0x9000004A  }
0x44: {  	s12 =	simm.s32 $0x0;
	_ =	strace $0x8000004B  }
0x45: {  	v0 =	vld [tilespmem:s12+$0x10050]  }
0x46: {  	v1 =	vld [tilespmem:s12+$0x10054]  }
0x47: {  	v2 =	vld [tilespmem:s12+$0x10000]  }
0x48: {  	v3 =	vld [tilespmem:s12+$0x10010]  }
0x49: {  	v4 =	vld [tilespmem:s12+$0x10020]  }
0x4a: {  	v5 =	vld [tilespmem:s12+$0x10030];
	v0 =	vtrunc.f32 v0  }
0x4b: {  	s11 =	simm.s32 $0x80;
	v6 =	vld [tilespmem:s12+$0x10040];
	v1 =	vtrunc.f32 v1;
	v0 =	vcvt.f32.s32 v0  }
0x4c: {  	v7 =	vld [tilespmem:s11+$0x10050];
	v1 =	vcvt.f32.s32 v1  }
0x4d: {  	v8 =	vld [tilespmem:s11+$0x10054];
	v2 =	vtrunc.f32 v2;
	v0 =	vsub.s32 $0x1, v0  }
0x4e: {  	v9 =	vld [tilespmem:s11+$0x10000];
	v3 =	vtrunc.f32 v3;
	v1 =	vsub.s32 $0x1, v1;
	[tilespmem:s12+$0x50] =	vst v0;
	v0 =	vcvt.f32.s32 v2  }
0x4f: {  	v2 =	vld [tilespmem:s11+$0x10010];
	[tilespmem:s12+$0x54] =	vst v1;
	v1 =	vcvt.f32.s32 v3  }
0x50: {  	v4 =	vtrunc.f32 v4;
	v3 =	vsub.s32 $0x1, v0  }
0x51: {  	v5 =	vtrunc.f32 v5;
	v0 =	vld [tilespmem:s11+$0x10020];
	[tilespmem:s12+$0x0] =	vst v3;
	v3 =	vcvt.f32.s32 v4;
	v4 =	vsub.s32 $0x1, v1  }
0x52: {  	v1 =	vld [tilespmem:s11+$0x10030];
	[tilespmem:s12+$0x10] =	vst v4;
	v4 =	vcvt.f32.s32 v5;
	v5 =	vtrunc.f32 v6  }
0x53: {  	v7 =	vtrunc.f32 v7;
	v6 =	vsub.s32 $0x1, v3;
	v10 =	vcvt.f32.s32 v5  }
0x54: {  	s13 =	simm.s32 $0x100;
	v3 =	vld [tilespmem:s11+$0x10040];
	v5 =	vcvt.f32.s32 v7;
	[tilespmem:s12+$0x20] =	vst v6;
	v6 =	vtrunc.f32 v8;
	v8 =	vsub.s32 $0x1, v4  }
0x55: {  	s14 =	simm.s32 $0x600;
	v7 =	vtrunc.f32 v9;
	v4 =	vld [tilespmem:s13+$0x10050];
	v6 =	vcvt.f32.s32 v6;
	[tilespmem:s12+$0x30] =	vst v8;
	v8 =	vsub.s32 $0x1, v10  }
.LBB2_6:
0x56: {  	p0 =	sne.s32 s14, $0x3FE00;
	v9 =	vld [tilespmem:s13+$0x10054];
	v7 =	vcvt.f32.s32 v7;
	v2 =	vtrunc.f32 v2;
	v5 =	vsub.s32 $0x1, v5;
	[tilespmem:s12+$0x40] =	vst v8;
	s12 =	smov.u32 s11;
	s11 =	smov.u32 s13  }
0x57: {  	v8 =	vld [tilespmem:s11+$0x10000];
	v10 =	vcvt.f32.s32 v2;
	v0 =	vtrunc.f32 v0;
	[tilespmem:s12+$0x50] =	vst v5;
	v5 =	vsub.s32 $0x1, v6  }
.Ltmp2:
0x58: {  	v2 =	vld [tilespmem:s11+$0x10010];
	v6 =	vsub.s32 $0x1, v7;
	v7 =	vcvt.f32.s32 v0;
	v1 =	vtrunc.f32 v1;
	[tilespmem:s12+$0x54] =	vst v5;
	(pc) =	sbr.rel @p0 .LBB2_6-.Ltmp2, $4  }
0x59: {  	v0 =	vld [tilespmem:s11+$0x10020];
	[tilespmem:s12+$0x0] =	vst v6;
	v5 =	vsub.s32 $0x1, v10;
	v6 =	vcvt.f32.s32 v1;
	v3 =	vtrunc.f32 v3  }
0x5a: {  	v1 =	vld [tilespmem:s11+$0x10030];
	v4 =	vtrunc.f32 v4;
	[tilespmem:s12+$0x10] =	vst v5;
	v7 =	vsub.s32 $0x1, v7;
	v10 =	vcvt.f32.s32 v3  }
0x5b: {  	s13 =	sshra.s32 s14, $0x2;
	v3 =	vld [tilespmem:s11+$0x10040];
	v5 =	vcvt.f32.s32 v4;
	v9 =	vtrunc.f32 v9;
	[tilespmem:s12+$0x20] =	vst v7;
	v11 =	vsub.s32 $0x1, v6  }
0x5c: {  	s14 =	sadd.s32 $0x200, s14;
	v4 =	vld [tilespmem:s13+$0x10050];
	v7 =	vtrunc.f32 v8;
	v6 =	vcvt.f32.s32 v9;
	[tilespmem:s12+$0x30] =	vst v11;
	v8 =	vsub.s32 $0x1, v10  }
0x5d: {  	v9 =	vld [tilespmem:s13+$0x10054];
	[tilespmem:s12+$0x40] =	vst v8;
	v5 =	vsub.s32 $0x1, v5;
	v46 =	vcvt.f32.s32 v7;
	v2 =	vtrunc.f32 v2  }
0x5e: {  	v8 =	vld [tilespmem:s13+$0x10000];
	[tilespmem:s11+$0x50] =	vst v5;
	v6 =	vsub.s32 $0x1, v6;
	v2 =	vcvt.f32.s32 v2;
	v0 =	vtrunc.f32 v0  }
0x5f: {  	v47 =	vld [tilespmem:s13+$0x10010];
	[tilespmem:s11+$0x54] =	vst v6;
	v5 =	vsub.s32 $0x1, v46;
	v0 =	vcvt.f32.s32 v0;
	v1 =	vtrunc.f32 v1  }
0x60: {  	v6 =	vld [tilespmem:s13+$0x10020];
	[tilespmem:s11+$0x0] =	vst v5;
	v2 =	vsub.s32 $0x1, v2;
	v1 =	vcvt.f32.s32 v1;
	v3 =	vtrunc.f32 v3  }
0x61: {  	v5 =	vld [tilespmem:s13+$0x10030];
	[tilespmem:s11+$0x10] =	vst v2;
	v48 =	vtrunc.f32 v4;
	v0 =	vsub.s32 $0x1, v0;
	v3 =	vcvt.f32.s32 v3  }
0x62: {  	v49 =	vld [tilespmem:s13+$0x10040];
	v2 =	vcvt.f32.s32 v48;
	v9 =	vtrunc.f32 v9;
	[tilespmem:s11+$0x20] =	vst v0;
	v50 =	vsub.s32 $0x1, v1  }
0x63: {  	v51 =	vtrunc.f32 v8;
	v52 =	vcvt.f32.s32 v9;
	[tilespmem:s11+$0x30] =	vst v50;
	v53 =	vsub.s32 $0x1, v3  }
0x64: {  	v1 =	vcvt.f32.s32 v51;
	v54 =	vtrunc.f32 v47;
	v2 =	vsub.s32 $0x1, v2;
	[tilespmem:s11+$0x40] =	vst v53  }
0x65: {  	v55 =	vcvt.f32.s32 v54;
	v56 =	vtrunc.f32 v6;
	[tilespmem:s13+$0x50] =	vst v2;
	v57 =	vsub.s32 $0x1, v52  }
0x66: {  	v1 =	vsub.s32 $0x1, v1;
	v3 =	vcvt.f32.s32 v56;
	v5 =	vtrunc.f32 v5;
	[tilespmem:s13+$0x54] =	vst v57  }
0x67: {  	[tilespmem:s13+$0x0] =	vst v1;
	v0 =	vsub.s32 $0x1, v55;
	v58 =	vcvt.f32.s32 v5;
	v59 =	vtrunc.f32 v49  }
0x68: {  	[tilespmem:s13+$0x10] =	vst v0;
	v60 =	vsub.s32 $0x1, v3;
	v2 =	vcvt.f32.s32 v59  }
0x69: {  	[tilespmem:s13+$0x20] =	vst v60;
	v61 =	vsub.s32 $0x1, v58  }
0x6a: {  	[tilespmem:s13+$0x30] =	vst v61;
	v62 =	vsub.s32 $0x1, v2  }
0x6b: {  	[tilespmem:s13+$0x40] =	vst v62  }
0x6c: {  	s10 =	sadd.s32 $0x1, s10;
	_ =	strace $0x9000004B  }
0x6d: {  	p0 =	sne.s32 s10, s6;
	_ =	strace $0x8000004C  }
0x6e: {  	[hbm4b:s5+s3] =	stream.linear.scatter [tilespmem:s3], [sflag:$0x2], $0x10000, $0x200038;
	v63 =	vld [tilespmem:$0x0]  }
.Ltmp3:
0x6f: {  	_ = 	snop;
	(pc) =	sbr.rel @p0 .LBB2_1-.Ltmp3, $4  }
0x70: {  	_ =	swait.ge [sflag:s7], $0x10000  }
0x71: {  	[sflag:s7] =	ssyncset.done $0x0  }
0x72: {  	[sflag:s7] =	ssyncadd.s32 $0xFFFF0000  }
0x73: {  	_ =	strace $0x9000004C  }
0x74: {  	_ =	sfence.sel $0x180000  }
0x75: {  	[bflag:$0x0] =	sbarrier.arrive $0xFFFF  }
0x76: {  	p0 =	sne.s32 s2, $0x0;
	_ =	strace $0x90000047  }
0x77: {  	s0 =	sadd.s32 @!p0 $0x100000, s0;
	[bflag:$0x2] =	sbarrier.arrive $0xFFFF  }
0x78: {  	[sflag:s0] =	ssyncadd.tile.s32 @!p0 $0x1;
	_ =	shalt  }
.Lfunc_end2:
_tile_overlayer_lowered:
.L_overlay_start_2:
0x79: {  	(tag) =	ssettag $0x2  }
0x7a: {  	s0 =	rddreg [dreg:$0x0];
	s2 =	stileid.u32  }
0x7b: {  	s1 =	rddreg [dreg:$0x1];
	p0 =	sne.s32 s2, $0x0  }
0x7c: {  	s3 =	rddreg [dreg:$0x2];
	[bflag:$0x3] =	sbarrier.arrive $0xFFFF;
	s2 =	simm.s32 @!p0 $0x1C02  }
0x7d: {  	[timem:s3], [sflag:s2] =	dma.local @!p0 [hbm:s0], s1  }
0x7e: {  	s0 =	simm.s32 @!p0 $0x2  }
0x7f: {  	_ =	swait.ge @!p0 [sflag:s0], s1  }
0x80: {  	s1 =	ssub.s32 @!p0 $0x0, s1;
	[sflag:s0] =	ssyncset.done @!p0 $0x0  }
0x81: {  	[sflag:s0] =	ssyncadd.s32 @!p0 s1  }
0x82: {  	[bflag:$0x3] =	sbarrier.arrive $0xFFFF  }
0x83: {  	_ =	shalt  }

</sc_bundles>
